<compile_context>
chip_gen: v7x
topology: tpu7x:2x2x1
jax: 0.10.2.dev20260603
libtpu: 0.0.44.dev20260713+nightly
codegen_flags: <defaults>
</compile_context>

<pallas_src>
import functools

import jax
import jax.numpy as jnp
from jax import lax
from jax.experimental import pallas as pl
from jax.experimental.pallas import tpu as pltpu
from jax.experimental.pallas import tpu_sc as plsc

B = 16
NT = 50
NA = 3
H = W = 76
HW = H * W
CH = NA * 85
NCELL = B * NA * HW
NCHUNK = B * CH * HW // 16
CPR = HW // 16
G = B * NT
NWORK = 32
SPW = G // NWORK
ROWS_PW = SPW * 87
NIDX = 17
TWO23 = 8388608

AW = (1.25, 2.0, 4.125)
AH = (1.625, 3.75, 2.875)

_f32 = jnp.float32
_i32 = jnp.int32


def _bc(x, dtype=_i32):
    return jnp.broadcast_to(jnp.asarray(x, dtype), (16,))


def _sc_body(tgt_hbm, out_hbm,
             tbuf, kbuf, pbuf, cbuf, idxb, gbuf, obuf, shared, sem):
    cid = lax.axis_index("c")
    sid = lax.axis_index("s")
    wid = cid * 16 + sid
    par = wid & 1
    b_s = wid >> 1

    obuf[pl.ds(0, 16)] = jnp.zeros((16,), _f32)
    pltpu.sync_copy(obuf, out_hbm.at[pl.ds(pl.multiple_of(wid * SPW * 128, 128), SPW * 128)])


@jax.jit
def _sc_assign_gather(tgt):
    mesh = plsc.VectorSubcoreMesh(core_axis_name="c", subcore_axis_name="s")
    f = functools.partial(
        pl.kernel, mesh=mesh,
        out_type=jax.ShapeDtypeStruct((G * 128,), _f32),
        compiler_params=pltpu.CompilerParams(needs_layout_passes=False,
                                             use_tc_tiling_on_sc=False),
        scratch_types=[
            pltpu.VMEM((136,), _f32),
            pltpu.VMEM((128,), _i32),
            pltpu.VMEM((128,), _i32),
            pltpu.VMEM((256,), _i32),
            pltpu.VMEM((NIDX, 128), _i32),
            pltpu.VMEM((NIDX, 128, 16), _f32),
            pltpu.VMEM((SPW * 128,), _f32),
            pltpu.VMEM_SHARED((16, 128), _i32),
            pltpu.SemaphoreType.DMA,
        ],
    )(_sc_body)
    return f(tgt)


def _dense_body(x_ref, o_ref):
    step = pl.program_id(0) * NA + pl.program_id(1)

    @pl.when(step == 0)
    def _():
        o_ref[0, 0] = 0.0
    z = x_ref[0, 0, :, :]
    p = jnp.clip(jax.nn.sigmoid(z), 1e-7, 1.0 - 1e-7)
    o_ref[0, 0] += jnp.sum(jnp.log(1.0 - p))


@jax.jit
def _tc_dense(input):
    return pl.pallas_call(
        _dense_body,
        grid=(B, NA),
        in_specs=[pl.BlockSpec((1, 1, H, W), lambda b, a: (b, a * 85 + 4, 0, 0))],
        out_specs=pl.BlockSpec((1, 1), lambda b, a: (0, 0),
                               memory_space=pltpu.SMEM),
        out_shape=jax.ShapeDtypeStruct((1, 1), _f32),
    )(input)


def _fin_body(g_ref, d_ref, *outs):
    g = g_ref[...]
    LOG0 = jnp.log(1.0 - jnp.clip(_f32(0.0), 1e-7, 1.0 - 1e-7))

    def clip(p):
        return jnp.clip(p, 1e-7, 1.0 - 1e-7)

    win = g[:, 88:89]
    fx = g[:, 89:90]
    fy = g[:, 90:91]
    gw = g[:, 91:92]
    gh = g[:, 92:93]
    awb = g[:, 93:94]
    ahb = g[:, 94:95]
    cid = g[:, 98:99]
    px = clip(jax.nn.sigmoid(g[:, 0:1]))
    py = clip(jax.nn.sigmoid(g[:, 1:2]))
    Sx = jnp.sum(win * (fx * jnp.log(px) + (1.0 - fx) * jnp.log(1.0 - px)))
    Sy = jnp.sum(win * (fy * jnp.log(py) + (1.0 - fy) * jnp.log(1.0 - py)))
    tw = jnp.log(gw / awb + _f32(1e-16))
    th = jnp.log(gh / ahb + _f32(1e-16))
    Sw = jnp.sum(win * (g[:, 2:3] - tw) ** 2)
    Sh = jnp.sum(win * (g[:, 3:4] - th) ** 2)
    Sco = jnp.sum(win * jnp.log(clip(jax.nn.sigmoid(g[:, 4:5]))))
    pc = clip(jax.nn.sigmoid(g[:, 5:85]))
    io = lax.broadcasted_iota(_i32, (G, 80), 1)
    oh = jnp.where(io == cid.astype(_i32), _f32(1.0), _f32(0.0))
    lpc = jnp.log(pc)
    l1pc = jnp.log(1.0 - pc)
    trow = jnp.sum(l1pc + oh * (lpc - l1pc), axis=1, keepdims=True)
    Scls = jnp.sum(win * trow)
    M = jnp.sum(win)
    corr = _f32(0.0)
    for a in range(NA):
        rep = g[:, 95 + a:96 + a]
        pa = clip(jax.nn.sigmoid(g[:, 85 + a:86 + a]))
        corr += jnp.sum(rep * (LOG0 - jnp.log(1.0 - pa)))
    N = _f32(NCELL)
    dense = d_ref[0, 0]
    loss_x = -((N - M) * LOG0 + Sx) / N
    loss_y = -((N - M) * LOG0 + Sy) / N
    loss_w = Sw / N
    loss_h = Sh / N
    loss_conf = -((N - M) * LOG0 + Sco) / N + 0.5 * (-(dense + corr) / N)
    loss_cls = -Scls / (M * 80.0)
    loss = ((loss_x + loss_y) * 2.5 + (loss_w + loss_h) * 2.5
            + loss_conf + loss_cls)
    for r, v in zip(outs, (loss, loss_x, loss_y, loss_w, loss_h,
                           loss_conf, loss_cls)):
        r[0, 0] = v


@jax.jit
def _tc_finalize(gat, dense):
    sp = pl.BlockSpec((1, 1), lambda: (0, 0), memory_space=pltpu.SMEM)
    outs = pl.pallas_call(
        _fin_body,
        in_specs=[pl.BlockSpec((G, 128), lambda: (0, 0)), sp],
        out_specs=[sp] * 7,
        out_shape=[jax.ShapeDtypeStruct((1, 1), _f32)] * 7,
    )(gat, dense)
    return outs


def kernel(input, targets):
    chunks = input.reshape(NCHUNK, 16)
    tgt = jnp.concatenate([targets.reshape(-1),
                           jnp.zeros((4096 - G * 5,), _f32)])
    gat = _sc_assign_gather(tgt).reshape(G, 128)
    dense = _tc_dense(input)
    outs = _tc_finalize(gat, dense)
    return tuple(o[0, 0] for o in outs)

# --- scband reference (transcript-rebuilt; emitter-appended) ---
"""Pipeline reference for scband-yololoss-63625645523194 (READ-ONLY COPY).

The authoritative reference and input builder live on the scoring server;
editing this copy changes nothing except your own understanding.
"""

import jax, jax.numpy as jnp
import numpy as np
import math

IMAGE_SIZE = (608, 608)
NUM_CLASSES = 80
ANCHORS = [(10.0, 13.0), (16.0, 30.0), (33.0, 23.0)]
NUM_ANCHORS = len(ANCHORS)
BBOX_ATTRS = 5 + NUM_CLASSES
IGNORE_THRESHOLD = 0.5
LAMBDA_XY = 2.5
LAMBDA_WH = 2.5
LAMBDA_CONF = 1.0
LAMBDA_CLS = 1.0


def _bce(pred, tgt):
    p = jnp.clip(pred, 1e-7, 1.0 - 1e-7)
    return -jnp.mean(tgt * jnp.log(p) + (1.0 - tgt) * jnp.log(1.0 - p))


def _mse(pred, tgt):
    return jnp.mean((pred - tgt) ** 2)


def _build_target(target, anchors, in_w, in_h, ignore_threshold):
    bsz = target.shape[0]
    nt = target.shape[1]
    na = NUM_ANCHORS
    anc = jnp.asarray(anchors, dtype=jnp.float32)
    shape = (bsz, na, in_h, in_w)
    mask = jnp.zeros(shape, dtype=jnp.float32)
    noobj_mask = jnp.ones(shape, dtype=jnp.float32)
    tx = jnp.zeros(shape, dtype=jnp.float32)
    ty = jnp.zeros(shape, dtype=jnp.float32)
    tw = jnp.zeros(shape, dtype=jnp.float32)
    th = jnp.zeros(shape, dtype=jnp.float32)
    tconf = jnp.zeros(shape, dtype=jnp.float32)
    tcls = jnp.zeros((bsz, na, in_h, in_w, NUM_CLASSES), dtype=jnp.float32)
    # float32 uniform draws are exact multiples of 2**-23, so grid cell and
    # fractional offsets are computed exactly in integer arithmetic
    two23 = 8388608

    def body(carry, idx):
        mask, noobj_mask, tx, ty, tw, th, tconf, tcls = carry
        b = idx // nt
        t = idx - b * nt
        row = target[b, t]
        valid = jnp.sum(row) != 0
        ki = jnp.round(row[1] * float(two23)).astype(jnp.int32)
        kj = jnp.round(row[2] * float(two23)).astype(jnp.int32)
        pi = ki * in_w
        pj = kj * in_h
        gi = pi // two23
        gj = pj // two23
        fx = (pi % two23).astype(jnp.float32) * jnp.float32(2.0 ** -23)
        fy = (pj % two23).astype(jnp.float32) * jnp.float32(2.0 ** -23)
        gw = row[3] * in_w
        gh = row[4] * in_h
        # bbox_iou of [0,0,gw,gh] vs [0,0,aw,ah] (corner format, shared origin)
        inter = jnp.minimum(gw, anc[:, 0]) * jnp.minimum(gh, anc[:, 1])
        union = gw * gh + anc[:, 0] * anc[:, 1] - inter
        anchor_ious = inter / (union + 1e-16)
        best = jnp.argmax(anchor_ious)
        cur_no = noobj_mask[b, :, gj, gi]
        noobj_mask = noobj_mask.at[b, :, gj, gi].set(
            jnp.where(valid & (anchor_ious > ignore_threshold), 0.0, cur_no)
        )

        def _put(arr, val):
            return arr.at[b, best, gj, gi].set(
                jnp.where(valid, val, arr[b, best, gj, gi])
            )

        mask = _put(mask, 1.0)
        tx = _put(tx, fx)
        ty = _put(ty, fy)
        tw = _put(tw, jnp.log(gw / anc[best, 0] + 1e-16))
        th = _put(th, jnp.log(gh / anc[best, 1] + 1e-16))
        tconf = _put(tconf, 1.0)
        c = row[0].astype(jnp.int32)
        tcls = tcls.at[b, best, gj, gi, c].set(
            jnp.where(valid, 1.0, tcls[b, best, gj, gi, c])
        )
        return (mask, noobj_mask, tx, ty, tw, th, tconf, tcls), None

    init = (mask, noobj_mask, tx, ty, tw, th, tconf, tcls)
    (mask, noobj_mask, tx, ty, tw, th, tconf, tcls), _ = jax.lax.scan(
        body, init, jnp.arange(bsz * nt)
    )
    return mask, noobj_mask, tx, ty, tw, th, tconf, tcls


def setup_inputs(seed: int = 0):
    key = jax.random.key(seed)
    k1, k2 = jax.random.split(key)
    inp = jax.random.normal(k1, (16, NUM_ANCHORS * BBOX_ATTRS, 76, 76), dtype=jnp.float32)
    targets = jax.random.uniform(k2, (16, 50, 5), dtype=jnp.float32)
    return {"input": inp, "targets": targets}


def reference(input, targets):
    bsz = input.shape[0]
    in_h = input.shape[2]
    in_w = input.shape[3]
    stride_h = IMAGE_SIZE[1] / in_h
    stride_w = IMAGE_SIZE[0] / in_w
    scaled_anchors = [(aw / stride_w, ah / stride_h) for (aw, ah) in ANCHORS]
    m, nm, tx, ty, tw, th, tconf, tcls = _build_target(targets, scaled_anchors, in_w, in_h, IGNORE_THRESHOLD)
    pred = input.reshape(bsz, NUM_ANCHORS, BBOX_ATTRS, in_h, in_w).transpose(0, 1, 3, 4, 2)
    x = jax.nn.sigmoid(pred[..., 0])
    y = jax.nn.sigmoid(pred[..., 1])
    w = pred[..., 2]
    h = pred[..., 3]
    conf = jax.nn.sigmoid(pred[..., 4])
    pred_cls = jax.nn.sigmoid(pred[..., 5:])
    mask = m
    noobj = nm
    loss_x = _bce(x * mask, tx * mask)
    loss_y = _bce(y * mask, ty * mask)
    loss_w = _mse(w * mask, tw * mask)
    loss_h = _mse(h * mask, th * mask)
    loss_conf = _bce(conf * mask, mask) + 0.5 * _bce(conf * noobj, noobj * 0.0)
    p_cls = jnp.clip(pred_cls, 1e-7, 1.0 - 1e-7)
    cls_terms = tcls * jnp.log(p_cls) + (1.0 - tcls) * jnp.log(1.0 - p_cls)
    loss_cls = -jnp.sum(cls_terms * mask[..., None]) / (jnp.sum(mask) * NUM_CLASSES)
    loss = (loss_x + loss_y) * LAMBDA_XY + (loss_w + loss_h) * LAMBDA_WH + loss_conf * LAMBDA_CONF + loss_cls * LAMBDA_CLS
    return (loss, loss_x, loss_y, loss_w, loss_h, loss_conf, loss_cls)

if __name__ == "__main__":
    import jax
    _d = setup_inputs()
    print(jax.jit(kernel)(*tuple(_d.values())))

</pallas_src>

<mosaic_0001>
#map = affine_map<(d0, d1) -> (0)>
module attributes {stable_mosaic.version = 14 : i64} {
  func.func @_sc_body(%arg0: i32, %arg1: i32, %arg2: memref<4096xf32, #tpu.memory_space<hbm>>, %arg3: memref<102400xf32, #tpu.memory_space<hbm>>, %arg4: memref<136xf32, #tpu.memory_space<vmem>>, %arg5: memref<128xi32, #tpu.memory_space<vmem>>, %arg6: memref<128xi32, #tpu.memory_space<vmem>>, %arg7: memref<256xi32, #tpu.memory_space<vmem>>, %arg8: memref<17x128xi32, #tpu.memory_space<vmem>>, %arg9: memref<17x128x16xf32, #tpu.memory_space<vmem>>, %arg10: memref<3200xf32, #tpu.memory_space<vmem>>, %arg11: memref<16x128xi32, #tpu.memory_space<vmem_shared>>, %arg12: memref<!tpu.dma_semaphore, #tpu.memory_space<semaphore_mem>>) attributes {dimension_semantics = [#tpu.dimension_semantics<core_parallel>, #tpu.dimension_semantics<subcore_parallel>], iteration_bounds = array<i64: 2, 16>, scalar_prefetch = 0 : i64, scratch_operands = 9 : i64, tpu.core_type = #tpu.core_type<sc_vector_subcore>, window_params = [{transform_indices = #map}, {transform_indices = #map}]} {
    %mul3A = arith.constant 16 : i32
    %mul3A_0 = arith.muli %arg0, %mul3A : i32
    %add3A = arith.addi %mul3A_0, %arg1 : i32
    %and3A = arith.constant 1 : i32
    %and3A_1 = arith.andi %add3A, %and3A : i32
    %shift_right_arithmetic3A = arith.constant 1 : i32
    %shift_right_arithmetic3A_2 = arith.shrsi %add3A, %shift_right_arithmetic3A : i32
    %broadcast_in_dim3A = arith.constant 0.000000e+00 : f32
    %broadcast_in_dim3A_3 = vector.broadcast %broadcast_in_dim3A : f32 to vector<16xf32>
    %swap3A = arith.constant 0 : index
    %swap3A_4 = tpu.vector_load %arg10[%swap3A] {strides = array<i32>} : memref<3200xf32, #tpu.memory_space<vmem>>, vector<16xf32>,
    tpu.vector_store %arg10[%swap3A], %broadcast_in_dim3A_3 {strides = array<i32>} : memref<3200xf32, #tpu.memory_space<vmem>>, vector<16xf32>,
    %mul3A_5 = arith.constant 25 : i32
    %mul3A_6 = arith.muli %add3A, %mul3A_5 : i32
    %mul3A_7 = arith.constant 128 : i32
    %mul3A_8 = arith.muli %mul3A_6, %mul3A_7 : i32
    %multiple_of3A = tpu.assume_multiple %mul3A_8, 128 : i32
    "tpu.region"() ({
      %run_scoped3A = tpu.sem_alloc : memref<!tpu.dma_semaphore, #tpu.memory_space<semaphore_mem>>
      %dma_start3A = tpu.memref_slice %arg3[%multiple_of3A] : memref<102400xf32, #tpu.memory_space<hbm>> -> memref<3200xf32, #tpu.memory_space<hbm>>
      %dma_start3A_9 = tpu.memref_slice %arg3[%multiple_of3A] : memref<102400xf32, #tpu.memory_space<hbm>> -> memref<3200xf32, #tpu.memory_space<hbm>>
      tpu.enqueue_dma source(%arg10 : memref<3200xf32, #tpu.memory_space<vmem>>) target(%dma_start3A_9 : memref<3200xf32, #tpu.memory_space<hbm>>) target_semaphore(%run_scoped3A : memref<!tpu.dma_semaphore, #tpu.memory_space<semaphore_mem>>)
      %dma_wait3A = tpu.memref_slice %arg3[%multiple_of3A] : memref<102400xf32, #tpu.memory_space<hbm>> -> memref<3200xf32, #tpu.memory_space<hbm>>
      %dma_wait3A_10 = tpu.memref_slice %arg3[%multiple_of3A] : memref<102400xf32, #tpu.memory_space<hbm>> -> memref<3200xf32, #tpu.memory_space<hbm>>
      tpu.wait_dma2 semaphore(%run_scoped3A : memref<!tpu.dma_semaphore, #tpu.memory_space<semaphore_mem>>) src(%arg10 : memref<3200xf32, #tpu.memory_space<vmem>>) dst(%dma_wait3A_10 : memref<3200xf32, #tpu.memory_space<hbm>>)
      tpu.yield
    }) : () -> ()
    return
  }
}

</mosaic_0001>

<sc_bundles>
// kernel: _sc_assign_gather.3.cloned.1.call-start
scs
__scs_entry_jumppad:
0x0: {  	(pc) =	sbr.rel $0x88, $3  }
0x1: {  	(tag) =	ssettag $0x0;
	lr =	simm.s32 $0x1  }
0x2: {  	[smem:$0x3FA0] =	sst lr;
	_ =	strace $0xD0000000  }
0x3: {  	_ = 	snop  }
0x4: {  	_ = 	snop  }
0x5: {  	_ = 	snop  }
0x6: {  	_ = 	snop  }
0x7: {  	_ = 	snop  }
__scs_overlays_trampoline_lowered:
0x8: {  	[smem:$0x3FAF] =	sst s0  }
0x9: {  	[smem:$0x3FB0] =	sst s1  }
0xa: {  	[smem:$0x3FB1] =	sst s2  }
0xb: {  	[smem:$0x3FB2] =	sst s3  }
0xc: {  	[smem:$0x3FB3] =	sst s4  }
0xd: {  	[smem:$0x3FB4] =	sst s5  }
0xe: {  	[smem:$0x3FB5] =	sst s6  }
0xf: {  	[smem:$0x3FB6] =	sst s7  }
0x10: {  	[smem:$0x3FB7] =	sst s8  }
0x11: {  	[smem:$0x3FB8] =	sst s9;
	s0 =	simm.s32 @!p0 $0x0  }
0x12: {  	s1 =	sld [smem:$0x3F9E];
	s0 =	simm.s32 @p0 $0x1  }
0x13: {  	[smem:$0x3FB9] =	sst s0;
	s0 =	simm.s32 @!p1 $0x0  }
0x14: {  	s2 =	sld [smem:$0x3F9D];
	s0 =	simm.s32 @p1 $0x1  }
0x15: {  	[smem:$0x3FBA] =	sst s0;
	s0 =	simm.s32 @!p2 $0x0  }
0x16: {  	s3 =	sld [smem:$0x3FDB];
	s0 =	simm.s32 @p2 $0x1  }
0x17: {  	s4 =	simm.s32 $0x1BF5;
	[smem:$0x3FBC] =	sst s0  }
0x18: {  	s0 =	sld [smem:$0x3F9F];
	_ =	swait.ge [sflag:s4], $0x0  }
0x19: {  	s7 =	sld [smem:$0x3FA0]  }
0x1a: {  	s8 =	sadd.s32 $0xFFFFE003, lr  }
0x1b: {  	s9 =	sadd.s32 $0xFFFFFEF7, lr;
	s5 =	simm.s32 $0xFFFFFFFF;
	p2 =	slt.u32 s8, $0xFFFFF086  }
0x1c: {  	p1 =	slt.u32 s9, $0xF7A;
	s5 =	simm.s32 @!p2 $0x0  }
0x1d: {  	s5 =	simm.s32 @p1 $0x1;
	p0 =	seq.s32 s7, s2  }
0x1e: {  	s7 =	smul.u32 @!p0 $0xF7A, s2;
	p2 =	seq.s32 @!p0 s5, $0x0  }
0x1f: {  	s9 =	smul.u32 $0xF7A, s1;
	s8 =	simm.s32 @!p0 $0x1BF5;
	p2 =	por !p2, p0  }
0x20: {  	[sflag:s8] =	ssyncset.s32 @!p0 $0xFFFFF086;
	s6 =	sadd.s32 @!p0 s3, s7;
	s7 =	simm.s32 @!p0 $0x108  }
0x21: {  	s3 =	sadd.s32 s3, s9;
	s6 =	sadd.s32 @!p0 $0x88, s6;
	s7 =	simm.s32 @p2 $0x1082  }
0x22: {  	[simem:s7], [sflag:s8] =	dma.local @!p0 [hbm:s6], $0xF7A  }
0x23: {  	s9 =	sor.u32 $0xD0000000, s2;
	s6 =	simm.s32 $0x108;
	_ =	swait.ge @!p0 [sflag:s8], $0x0  }
0x24: {  	s3 =	sadd.s32 $0x88, s3;
	s6 =	simm.s32 @!p1 $0x1082;
	[sflag:s4] =	ssyncset.s32 $0xFFFFF086  }
0x25: {  	[simem:s6], [sflag:s4] =	dma.local [hbm:s3], $0xF7A  }
0x26: {  	[smem:$0x3FA0] =	sst s1;
	(tag) =	ssettag s2;
	_ =	strace s9  }
0x27: {  	s1 =	sld [smem:$0x3FB0]  }
0x28: {  	s2 =	sld [smem:$0x3FB1]  }
0x29: {  	s4 =	sld [smem:$0x3FB3]  }
0x2a: {  	p0 =	seq.s32 s5, $0x0;
	s5 =	sld [smem:$0x3FB4]  }
0x2b: {  	s6 =	sld [smem:$0x3FB5]  }
0x2c: {  	s7 =	sld [smem:$0x3FB6]  }
0x2d: {  	s3 =	simm.s32 $0x108;
	s8 =	sld [smem:$0x3FB7]  }
0x2e: {  	s3 =	simm.s32 @!p0 $0x1082;
	s9 =	sld [smem:$0x3FB8]  }
0x2f: {  	lr =	sadd.s32 s0, s3;
	s0 =	sld [smem:$0x3FAF]  }
0x30: {  	s3 =	sld [smem:$0x3FB2]  }
0x31: {  	[smem:$0x3FBB] =	sst s10  }
0x32: {  	s10 =	sld [smem:$0x3FB9];
	_ =	sdelay $0x3  }
0x33: {  	p0 =	seq.s32 s10, $0x1;
	s10 =	sld [smem:$0x3FBB];
	_ =	sdelay $0x3  }
0x34: {  	[smem:$0x3FBB] =	sst s10  }
0x35: {  	s10 =	sld [smem:$0x3FBA];
	_ =	sdelay $0x3  }
0x36: {  	p1 =	seq.s32 s10, $0x1;
	s10 =	sld [smem:$0x3FBB];
	_ =	sdelay $0x3  }
0x37: {  	[smem:$0x3FBB] =	sst s10  }
0x38: {  	s10 =	sld [smem:$0x3FBC]  }
0x39: {  	_ = 	snop;
	(pc) =	sbr.ind lr, $3  }
0x3a: {  	_ = 	snop  }
0x3b: {  	_ = 	snop  }
0x3c: {  	p2 =	seq.s32 s10, $0x1;
	s10 =	sld [smem:$0x3FBB]  }
0x3d: {  	_ =	shalt  }
0x3e: {  	_ =	shalt  }
0x3f: {  	_ =	shalt  }
0x40: {  	_ =	shalt  }
0x41: {  	_ =	shalt  }
0x42: {  	_ =	shalt  }
0x43: {  	_ =	shalt  }
0x44: {  	_ =	shalt  }
0x45: {  	_ =	shalt  }
0x46: {  	_ =	shalt  }
0x47: {  	_ =	shalt  }
0x48: {  	_ =	shalt  }
0x49: {  	_ =	shalt  }
0x4a: {  	_ =	shalt  }
0x4b: {  	_ =	shalt  }
0x4c: {  	_ =	shalt  }
0x4d: {  	_ =	shalt  }
0x4e: {  	_ =	shalt  }
0x4f: {  	_ =	shalt  }
0x50: {  	_ =	shalt  }
0x51: {  	_ =	shalt  }
0x52: {  	_ =	shalt  }
0x53: {  	_ =	shalt  }
0x54: {  	_ =	shalt  }
0x55: {  	_ =	shalt  }
0x56: {  	_ =	shalt  }
0x57: {  	_ =	shalt  }
0x58: {  	_ =	shalt  }
0x59: {  	_ =	shalt  }
0x5a: {  	_ =	shalt  }
0x5b: {  	_ =	shalt  }
0x5c: {  	_ =	shalt  }
0x5d: {  	_ =	shalt  }
0x5e: {  	_ =	shalt  }
0x5f: {  	_ =	shalt  }
0x60: {  	_ =	shalt  }
0x61: {  	_ =	shalt  }
0x62: {  	_ =	shalt  }
0x63: {  	_ =	shalt  }
0x64: {  	_ =	shalt  }
0x65: {  	_ =	shalt  }
0x66: {  	_ =	shalt  }
0x67: {  	_ =	shalt  }
0x68: {  	_ =	shalt  }
0x69: {  	_ =	shalt  }
0x6a: {  	_ =	shalt  }
0x6b: {  	_ =	shalt  }
0x6c: {  	_ =	shalt  }
0x6d: {  	_ =	shalt  }
0x6e: {  	_ =	shalt  }
0x6f: {  	_ =	shalt  }
0x70: {  	_ =	shalt  }
0x71: {  	_ =	shalt  }
0x72: {  	_ =	shalt  }
0x73: {  	_ =	shalt  }
0x74: {  	_ =	shalt  }
0x75: {  	_ =	shalt  }
0x76: {  	_ =	shalt  }
0x77: {  	_ =	shalt  }
0x78: {  	_ =	shalt  }
0x79: {  	_ =	shalt  }
0x7a: {  	_ =	shalt  }
0x7b: {  	_ =	shalt  }
0x7c: {  	_ =	shalt  }
0x7d: {  	_ =	shalt  }
0x7e: {  	_ =	shalt  }
0x7f: {  	_ =	shalt  }
0x80: {  	_ =	shalt  }
0x81: {  	_ =	shalt  }
0x82: {  	_ =	shalt  }
0x83: {  	_ =	shalt  }
0x84: {  	_ =	shalt  }
0x85: {  	_ =	shalt  }
0x86: {  	_ =	shalt  }
0x87: {  	_ =	shalt  }
.Lfunc_end0:
.L_simem_size_0:
called_computation_lowered:
.L_overlay_start_0:
0x88: {  	s2 =	sld [smem:$0x3FD9]  }
0x89: {  	s3 =	sld [smem:$0x3FFE];
	_ =	sdelay $0x1  }
0x8a: {  	s1 =	srdreg.scid  }
0x8b: {  	s0 =	sand.u32 $0x1, s1  }
0x8c: {  	s18 =	sshll.u32 s0, $0xA;
	s2 =	sadd.s32 s3, s2  }
0x8d: {  	s2 =	sadd.s32 s2, s18  }
0x8e: {  	[smem:$0x3FC7] =	sst s2  }
0x8f: {  	_ = 	snop  }
0x90: {  	s2 =	sld [smem:$0x3FD0];
	(tm) =	ssettm $0x1  }
0x91: {  	s19 =	sld [smem:$0x3FFB];
	_ =	sdelay $0x3  }
0x92: {  	_ =	strace s19  }
0x93: {  	s3 =	sld [smem:$0x3FFC];
	_ =	sdelay $0x3  }
0x94: {  	_ =	strace s3  }
0x95: {  	s3 =	sld [smem:$0x3FFD];
	_ =	sdelay $0x3  }
0x96: {  	_ =	strace s3  }
0x97: {  	_ =	strace $0x8FFFFFFF  }
0x98: {  	s20 =	sld [smem:$0x3FDB];
	_ =	sdelay $0x1  }
0x99: {  	s4 =	simm.s32 $_scs_section_size  }
0x9a: {  	s5 =	simm.s32 $_size__tile_overlayer_lowered;
	s6 =	simm.s32 $_tile_overlayer_lowered  }
0x9b: {  	s23 =	simm.s32 $0x1BFF;
	s22 =	sshll.u32 s6, $0x1;
	s3 =	sadd.s32 s4, s20  }
0x9c: {  	s7 =	simm.s32 $0x0;
	s21 =	sshll.u32 s5, $0x1;
	s5 =	sadd.s32 s22, s3  }
0x9d: {  	[timem:s7], [sflag:s23] =	dma.local [hbm:s5], s21  }
0x9e: {  	_ =	swait.ge [sflag:s23], s21  }
0x9f: {  	s4 =	ssub.s32 $0x0, s21;
	[sflag:s23] =	ssyncset.done $0x0  }
0xa0: {  	[sflag:s23] =	ssyncadd.s32 s4;
	_ =	sdelay $0x1  }
0xa1: {  	s24 =	simm.s32 $0x1B8B  }
0xa2: {  	_ =	swait.ge [sflag:s24], $0x1  }
0xa3: {  	[sflag:s24] =	ssyncset.done $0x0  }
0xa4: {  	s25 =	simm.s32 $0x1B8E;
	[sflag:s24] =	ssyncadd.s32 $0xFFFFFFFF  }
0xa5: {  	s26 =	simm.s32 $execute0_lowered;
	[smem:$0x3FD2] =	sst s25  }
0xa6: {  	s4 =	sshll.u32 s26, $0x1;
	_ =	strace $0x80000046;
	[dreg:$0x1] =	wrdreg $0xFFFFFFFF  }
0xa7: {  	s28 =	simm.s32 $_size_execute0_lowered;
	s3 =	sadd.s32 s3, s4;
	[dreg:$0x0] =	wrdreg $0x0  }
0xa8: {  	s4 =	sshll.u32 s28, $0x1;
	[dreg:$0x2] =	wrdreg s3  }
0xa9: {  	[dreg:$0x3] =	wrdreg s4  }
0xaa: {  	[dreg:$0x4] =	wrdreg $0xC0  }
0xab: {  	_ =	task [dreg:s7], $0x5FFFF  }
0xac: {  	[dreg:$0x1] =	wrdreg $0xFFFFFFFF  }
0xad: {  	[dreg:$0x0] =	wrdreg $0x60  }
0xae: {  	[dreg:$0x2] =	wrdreg s2  }
0xaf: {  	[dreg:$0x3] =	wrdreg $0x9  }
0xb0: {  	_ =	task.clear_ibuf [dreg:s7], $0x4FFFF;
	_ =	strace $0x90000046  }
0xb1: {  	s29 =	simm.s32 $0x9;
	_ =	strace $0x80000048  }
0xb2: {  	_ =	swait.ge [sflag:s29], $0x1  }
0xb3: {  	[sflag:s29] =	ssyncadd.s32 $0xFFFFFFFF  }
0xb4: {  	_ =	strace $0x90000048  }
0xb5: {  	_ =	sfence  }
0xb6: {  	s30 =	sld [smem:$0x0];
	_ =	sdelay $0x2  }
0xb7: {  	s31 =	sshll.u32 s1, $0xD;
	s1 =	sshrl.u32 s1, $0x2  }
0xb8: {  	s3 =	sand.u32 $0x4000, s31;
	s1 =	sadd.s32 s1, s30  }
0xb9: {  	s0 =	sor.u32 s3, s0;
	s1 =	sshll.u32 s1, $0x11  }
0xba: {  	s0 =	sor.u32 s1, s0  }
0xbb: {  	s0 =	sadd.s32 $0x8F2B, s0  }
0xbc: {  	[sflag:s0] =	ssyncadd.remote.s32 $0x1  }
0xbd: {  	_ =	sfence.sel $0xFFFF  }
0xbe: {  	[dreg:$0x0] =	wrdreg $0xFFFFFFFF;
	(pc) =	sbr.abs _section_cstart, $3  }
0xbf: {  	[dreg:$0x1] =	wrdreg $0xFFFFFFFF  }
0xc0: {  	_ =	task.clear_ibuf [dreg:s7], $0x2FFFF;
	_ =	strace $0x9FFFFFFF  }
0xc1: {  	(tm) =	ssettm $0x7FFFFFFF  }
tec
execute0_lowered:
.L_overlay_start_1:
0x0: {  	(tag) =	ssettag $0x1  }
0x1: {  	s0 =	srdreg.scid  }
0x2: {  	s4 =	sand.u32 $0x1, s0  }
0x3: {  	s5 =	sshll.u32 s4, $0x4;
	s4 =	ssub.s32 $0x2, s4  }
0x4: {  	s6 =	sshrl.u32 s4, $0x1  }
0x5: {  	s3 =	rddreg [dreg:$0x0];
	s1 =	stileid.u32;
	s4 =	ssub.s32 s4, s6  }
0x6: {  	s2 =	simm.s32 $0x0;
	s5 =	sor.u32 s1, s5;
	s31 =	smax.u32 s4, $0x1  }
0x7: {  	s0 =	rddreg [dreg:$0x1];
	s5 =	smul.u32 $0x190, s5;
	p0 =	sne.s32 s31, $0x1  }
.Ltmp0:
0x8: {  	v0 =	vimm.f32 $0.0e+00;
	[smem:$0x7FF] =	sst s2;
	(pc) =	sbr.rel @!p0 .LBB2_2-.Ltmp0, $4  }
0x9: {  	_ =	strace $0x80000047;
	[tilespmem:$0x0] =	vst v0;
	s4 =	simm.s32 $0x1;
	s3 =	sadd.s32 s3, s5  }
0xa: {  	[hbm4b:s3+s2] =	stream.linear.scatter [tilespmem:s2], [sflag:$0x1], $0xC80, $0x38;
	[tilespmem:$0xC80] =	vst v63  }
0xb: {  	_ =	swait.ge [sflag:s4], $0xC80  }
0xc: {  	s5 =	sadd.s32 $0xFFFFFFFF, s31;
	[sflag:s4] =	ssyncset.done $0x0  }
.LBB2_1:
0xd: {  	p0 =	sne.s32 s5, $0x1;
	s5 =	sadd.s32 $0xFFFFFFFF, s5;
	[sflag:s4] =	ssyncadd.s32 $0xFFFFF380  }
.Ltmp1:
0xe: {  	(pc) =	sbr.rel @p0 .LBB2_1-.Ltmp1, $4  }
0xf: {  	[tilespmem:$0x0] =	vst v0  }
0x10: {  	[hbm4b:s3+s2] =	stream.linear.scatter [tilespmem:s2], [sflag:$0x1], $0xC80, $0x38;
	[tilespmem:$0xC80] =	vst v63  }
0x11: {  	_ =	swait.ge [sflag:s4], $0xC80  }
0x12: {  	[sflag:s4] =	ssyncset.done $0x0  }
.LBB2_2:
0x13: {  	[sflag:s4] =	ssyncadd.s32 $0xFFFFF380  }
0x14: {  	_ =	sfence.sel $0x180000  }
0x15: {  	[bflag:$0x0] =	sbarrier.arrive $0xFFFF  }
0x16: {  	p0 =	sne.s32 s1, $0x0;
	_ =	strace $0x90000047  }
0x17: {  	s0 =	sadd.s32 @!p0 $0x100000, s0;
	[bflag:$0x2] =	sbarrier.arrive $0xFFFF  }
0x18: {  	[sflag:s0] =	ssyncadd.tile.s32 @!p0 $0x1;
	_ =	shalt  }
.Lfunc_end2:
_tile_overlayer_lowered:
.L_overlay_start_2:
0x19: {  	(tag) =	ssettag $0x2  }
0x1a: {  	s0 =	rddreg [dreg:$0x0];
	s2 =	stileid.u32  }
0x1b: {  	s1 =	rddreg [dreg:$0x1];
	p0 =	sne.s32 s2, $0x0  }
0x1c: {  	s3 =	rddreg [dreg:$0x2];
	[bflag:$0x3] =	sbarrier.arrive $0xFFFF;
	s2 =	simm.s32 @!p0 $0x1C01  }
0x1d: {  	[timem:s3], [sflag:s2] =	dma.local @!p0 [hbm:s0], s1  }
0x1e: {  	s0 =	simm.s32 @!p0 $0x1  }
0x1f: {  	_ =	swait.ge @!p0 [sflag:s0], s1  }
0x20: {  	s1 =	ssub.s32 @!p0 $0x0, s1;
	[sflag:s0] =	ssyncset.done @!p0 $0x0  }
0x21: {  	[sflag:s0] =	ssyncadd.s32 @!p0 s1  }
0x22: {  	[bflag:$0x3] =	sbarrier.arrive $0xFFFF  }
0x23: {  	_ =	shalt  }

</sc_bundles>
